<compile_context>
chip_gen: v7x
topology: tpu7x:2x2x1
jax: 0.10.2.dev20260603
libtpu: 0.0.44.dev20260713+nightly
codegen_flags: <defaults>
</compile_context>

<pallas_src>
import functools

import jax
import jax.numpy as jnp
from jax import lax
from jax.experimental import pallas as pl
from jax.experimental.pallas import tpu as pltpu
from jax.experimental.pallas import tpu_sc as plsc

NC = 2
NS = 16
NW = NC * NS


def _span_sum_body(spans_hbm, table_hbm, out_hbm, idx_v, idxt_v, acc_v, sem):
    wid = lax.axis_index("s") * NC + lax.axis_index("c")
    bpw, L = idx_v.shape
    D = acc_v.shape[1]
    nd = D // 16
    ng = bpw // 16

    pltpu.sync_copy(spans_hbm.at[pl.ds(wid * bpw, bpw)], idx_v)

    lane = lax.iota(jnp.int32, 16)
    zeros = jnp.zeros((16,), jnp.float32)

    @pl.loop(0, L)
    def _tr(l):
        col = jnp.full((16,), 0, jnp.int32) + l
        for g in range(ng):
            v = plsc.load_gather(idx_v, [lane + (16 * g), col])
            idxt_v[l, pl.ds(16 * g, 16)] = v

    @pl.loop(0, bpw)
    def _zero(b):
        for d in range(nd):
            acc_v[b, pl.ds(16 * d, 16)] = zeros

    @pl.loop(0, L)
    def _fire(l):
        pltpu.async_copy(table_hbm.at[idxt_v.at[l]], acc_v, sem, add=True)

    @pl.loop(0, L)
    def _drain(l):
        del l
        pltpu.make_async_copy(table_hbm.at[idxt_v.at[0]], acc_v, sem).wait()

    pltpu.sync_copy(acc_v, out_hbm.at[pl.ds(wid * bpw, bpw)])


def kernel(spans, table):
    B, L = spans.shape
    V, D = table.shape
    bpw = B // NW

    mesh = plsc.VectorSubcoreMesh(
        core_axis_name="c", subcore_axis_name="s", num_cores=NC, num_subcores=NS
    )
    f = pl.kernel(
        _span_sum_body,
        out_type=jax.ShapeDtypeStruct((B, D), jnp.float32),
        mesh=mesh,
        scratch_types=[
            pltpu.VMEM((bpw, L), jnp.int32),
            pltpu.VMEM((L, bpw), jnp.int32),
            pltpu.VMEM((bpw, D), jnp.float32),
            pltpu.SemaphoreType.DMA,
        ],
        compiler_params=pltpu.CompilerParams(
            use_tc_tiling_on_sc=False, needs_layout_passes=False
        ),
    )
    return f(spans.astype(jnp.int32), table)

# --- scband reference (transcript-rebuilt; emitter-appended) ---
"""Pipeline reference for scband-trained-word-embedding-layer-72361609003632 (READ-ONLY COPY).

The authoritative reference and input builder live on the scoring server;
editing this copy changes nothing except your own understanding.
"""

import jax, jax.numpy as jnp
import numpy as np

VOCAB = 1000000
D_WORD = 64
BATCH = 4096
SPAN_LEN = 50


def setup_inputs(seed: int = 0) -> dict:
    key = jax.random.key(seed)
    k1, k2 = jax.random.split(key)
    spans = jax.random.randint(k1, (BATCH, SPAN_LEN), 0, VOCAB, dtype=jnp.int64 if jax.config.jax_enable_x64 else jnp.int32)
    table = jax.random.normal(k2, (VOCAB, D_WORD), dtype=jnp.float32)
    return {"spans": spans, "table": table}


def reference(spans, table):
    # Original torch module: for each span (list of word ids), sum the
    # pretrained word embeddings over the span -> [B, d_word].
    # Dense equivalent: gather rows of the embedding table for every id in
    # every span, then reduce-sum over the span dimension.
    emb = jnp.take(table, spans, axis=0)  # [B, L, d_word] gather
    outputs = jnp.sum(emb, axis=1)        # [B, d_word] span-sum
    return outputs

if __name__ == "__main__":
    import jax
    _d = setup_inputs()
    print(jax.jit(kernel)(*tuple(_d.values())))

</pallas_src>

<mosaic_0001>
#map = affine_map<(d0, d1) -> (0, 0)>
module attributes {stable_mosaic.version = 14 : i64} {
  func.func @_span_sum_body(%arg0: i32, %arg1: i32, %arg2: memref<4096x50xi32, #tpu.memory_space<hbm>>, %arg3: memref<1000000x64xf32, #tpu.memory_space<hbm>>, %arg4: memref<4096x64xf32, #tpu.memory_space<hbm>>, %arg5: memref<128x50xi32, #tpu.memory_space<vmem>>, %arg6: memref<50x128xi32, #tpu.memory_space<vmem>>, %arg7: memref<128x64xf32, #tpu.memory_space<vmem>>, %arg8: memref<!tpu.dma_semaphore, #tpu.memory_space<semaphore_mem>>) attributes {dimension_semantics = [#tpu.dimension_semantics<core_parallel>, #tpu.dimension_semantics<subcore_parallel>], iteration_bounds = array<i64: 2, 16>, scalar_prefetch = 0 : i64, scratch_operands = 4 : i64, tpu.core_type = #tpu.core_type<sc_vector_subcore>, window_params = [{transform_indices = #map}, {transform_indices = #map}, {transform_indices = #map}]} {
    %mul3A = arith.constant 2 : i32
    %mul3A_0 = arith.muli %arg1, %mul3A : i32
    %add3A = arith.addi %mul3A_0, %arg0 : i32
    %mul3A_1 = arith.constant 128 : i32
    %mul3A_2 = arith.muli %add3A, %mul3A_1 : i32
    "tpu.region"() ({
      %run_scoped3A = tpu.sem_alloc : memref<!tpu.dma_semaphore, #tpu.memory_space<semaphore_mem>>
      %dma_start3A = arith.constant 0 : i32
      %dma_start3A_25 = tpu.memref_slice %arg2[%mul3A_2, %dma_start3A] : memref<4096x50xi32, #tpu.memory_space<hbm>> -> memref<128x50xi32, #tpu.memory_space<hbm>>
      %dma_start3A_26 = arith.constant 0 : i32
      %dma_start3A_27 = tpu.memref_slice %arg2[%mul3A_2, %dma_start3A_26] : memref<4096x50xi32, #tpu.memory_space<hbm>> -> memref<128x50xi32, #tpu.memory_space<hbm>>
      tpu.enqueue_dma source(%dma_start3A_27 : memref<128x50xi32, #tpu.memory_space<hbm>>) target(%arg5 : memref<128x50xi32, #tpu.memory_space<vmem>>) target_semaphore(%run_scoped3A : memref<!tpu.dma_semaphore, #tpu.memory_space<semaphore_mem>>)
      %dma_wait3A = arith.constant 0 : i32
      %dma_wait3A_28 = tpu.memref_slice %arg2[%mul3A_2, %dma_wait3A] : memref<4096x50xi32, #tpu.memory_space<hbm>> -> memref<128x50xi32, #tpu.memory_space<hbm>>
      %dma_wait3A_29 = arith.constant 0 : i32
      %dma_wait3A_30 = tpu.memref_slice %arg2[%mul3A_2, %dma_wait3A_29] : memref<4096x50xi32, #tpu.memory_space<hbm>> -> memref<128x50xi32, #tpu.memory_space<hbm>>
      tpu.wait_dma2 semaphore(%run_scoped3A : memref<!tpu.dma_semaphore, #tpu.memory_space<semaphore_mem>>) src(%dma_wait3A_30 : memref<128x50xi32, #tpu.memory_space<hbm>>) dst(%arg5 : memref<128x50xi32, #tpu.memory_space<vmem>>)
      tpu.yield
    }) : () -> ()
    %iota3A = tpu.iota {dimensions = array<i32: 0>} : vector<16xi32>
    %broadcast_in_dim3A = arith.constant 0.000000e+00 : f32
    %broadcast_in_dim3A_3 = vector.broadcast %broadcast_in_dim3A : f32 to vector<16xf32>
    %scan3A = arith.constant 0 : i32
    %scan3A_4 = arith.constant 50 : i32
    %scan3A_5 = arith.addi %scan3A, %scan3A_4 : i32
    %scan3A_6 = arith.constant 1 : i32
    scf.for %scan3A_25 = %scan3A to %scan3A_5 step %scan3A_6  : i32 {
      %mul3A_26 = arith.constant 1 : i32
      %mul3A_27 = arith.muli %scan3A_25, %mul3A_26 : i32
      %add3A_28 = arith.constant 0 : i32
      %add3A_29 = arith.addi %add3A_28, %mul3A_27 : i32
      %broadcast_in_dim3A_30 = arith.constant 0 : i32
      %broadcast_in_dim3A_31 = vector.broadcast %broadcast_in_dim3A_30 : i32 to vector<16xi32>
      %add3A_32 = vector.broadcast %add3A_29 : i32 to vector<16xi32>
      %add3A_33 = arith.addi %broadcast_in_dim3A_31, %add3A_32 : vector<16xi32>
      %add3A_34 = arith.constant 0 : i32
      %add3A_35 = vector.broadcast %add3A_34 : i32 to vector<16xi32>
      %add3A_36 = arith.addi %iota3A, %add3A_35 : vector<16xi32>
      %gather3A = tpu.vector_load_idx %arg5[%add3A_36, %add3A_33] : memref<128x50xi32, #tpu.memory_space<vmem>>[vector<16xi32>, vector<16xi32>], vector<16xi32>,
      %swap3A = arith.index_cast %add3A_29 : i32 to index
      %swap3A_37 = arith.constant 0 : index
      %swap3A_38 = tpu.vector_load %arg6[%swap3A, %swap3A_37] {strides = array<i32>} : memref<50x128xi32, #tpu.memory_space<vmem>>, vector<16xi32>,
      tpu.vector_store %arg6[%swap3A, %swap3A_37], %gather3A {strides = array<i32>} : memref<50x128xi32, #tpu.memory_space<vmem>>, vector<16xi32>,
      %add3A_39 = arith.constant 16 : i32
      %add3A_40 = vector.broadcast %add3A_39 : i32 to vector<16xi32>
      %add3A_41 = arith.addi %iota3A, %add3A_40 : vector<16xi32>
      %gather3A_42 = tpu.vector_load_idx %arg5[%add3A_41, %add3A_33] : memref<128x50xi32, #tpu.memory_space<vmem>>[vector<16xi32>, vector<16xi32>], vector<16xi32>,
      %swap3A_43 = arith.index_cast %add3A_29 : i32 to index
      %swap3A_44 = arith.constant 16 : index
      %swap3A_45 = tpu.vector_load %arg6[%swap3A_43, %swap3A_44] {strides = array<i32>} : memref<50x128xi32, #tpu.memory_space<vmem>>, vector<16xi32>,
      tpu.vector_store %arg6[%swap3A_43, %swap3A_44], %gather3A_42 {strides = array<i32>} : memref<50x128xi32, #tpu.memory_space<vmem>>, vector<16xi32>,
      %add3A_46 = arith.constant 32 : i32
      %add3A_47 = vector.broadcast %add3A_46 : i32 to vector<16xi32>
      %add3A_48 = arith.addi %iota3A, %add3A_47 : vector<16xi32>
      %gather3A_49 = tpu.vector_load_idx %arg5[%add3A_48, %add3A_33] : memref<128x50xi32, #tpu.memory_space<vmem>>[vector<16xi32>, vector<16xi32>], vector<16xi32>,
      %swap3A_50 = arith.index_cast %add3A_29 : i32 to index
      %swap3A_51 = arith.constant 32 : index
      %swap3A_52 = tpu.vector_load %arg6[%swap3A_50, %swap3A_51] {strides = array<i32>} : memref<50x128xi32, #tpu.memory_space<vmem>>, vector<16xi32>,
      tpu.vector_store %arg6[%swap3A_50, %swap3A_51], %gather3A_49 {strides = array<i32>} : memref<50x128xi32, #tpu.memory_space<vmem>>, vector<16xi32>,
      %add3A_53 = arith.constant 48 : i32
      %add3A_54 = vector.broadcast %add3A_53 : i32 to vector<16xi32>
      %add3A_55 = arith.addi %iota3A, %add3A_54 : vector<16xi32>
      %gather3A_56 = tpu.vector_load_idx %arg5[%add3A_55, %add3A_33] : memref<128x50xi32, #tpu.memory_space<vmem>>[vector<16xi32>, vector<16xi32>], vector<16xi32>,
      %swap3A_57 = arith.index_cast %add3A_29 : i32 to index
      %swap3A_58 = arith.constant 48 : index
      %swap3A_59 = tpu.vector_load %arg6[%swap3A_57, %swap3A_58] {strides = array<i32>} : memref<50x128xi32, #tpu.memory_space<vmem>>, vector<16xi32>,
      tpu.vector_store %arg6[%swap3A_57, %swap3A_58], %gather3A_56 {strides = array<i32>} : memref<50x128xi32, #tpu.memory_space<vmem>>, vector<16xi32>,
      %add3A_60 = arith.constant 64 : i32
      %add3A_61 = vector.broadcast %add3A_60 : i32 to vector<16xi32>
      %add3A_62 = arith.addi %iota3A, %add3A_61 : vector<16xi32>
      %gather3A_63 = tpu.vector_load_idx %arg5[%add3A_62, %add3A_33] : memref<128x50xi32, #tpu.memory_space<vmem>>[vector<16xi32>, vector<16xi32>], vector<16xi32>,
      %swap3A_64 = arith.index_cast %add3A_29 : i32 to index
      %swap3A_65 = arith.constant 64 : index
      %swap3A_66 = tpu.vector_load %arg6[%swap3A_64, %swap3A_65] {strides = array<i32>} : memref<50x128xi32, #tpu.memory_space<vmem>>, vector<16xi32>,
      tpu.vector_store %arg6[%swap3A_64, %swap3A_65], %gather3A_63 {strides = array<i32>} : memref<50x128xi32, #tpu.memory_space<vmem>>, vector<16xi32>,
      %add3A_67 = arith.constant 80 : i32
      %add3A_68 = vector.broadcast %add3A_67 : i32 to vector<16xi32>
      %add3A_69 = arith.addi %iota3A, %add3A_68 : vector<16xi32>
      %gather3A_70 = tpu.vector_load_idx %arg5[%add3A_69, %add3A_33] : memref<128x50xi32, #tpu.memory_space<vmem>>[vector<16xi32>, vector<16xi32>], vector<16xi32>,
      %swap3A_71 = arith.index_cast %add3A_29 : i32 to index
      %swap3A_72 = arith.constant 80 : index
      %swap3A_73 = tpu.vector_load %arg6[%swap3A_71, %swap3A_72] {strides = array<i32>} : memref<50x128xi32, #tpu.memory_space<vmem>>, vector<16xi32>,
      tpu.vector_store %arg6[%swap3A_71, %swap3A_72], %gather3A_70 {strides = array<i32>} : memref<50x128xi32, #tpu.memory_space<vmem>>, vector<16xi32>,
      %add3A_74 = arith.constant 96 : i32
      %add3A_75 = vector.broadcast %add3A_74 : i32 to vector<16xi32>
      %add3A_76 = arith.addi %iota3A, %add3A_75 : vector<16xi32>
      %gather3A_77 = tpu.vector_load_idx %arg5[%add3A_76, %add3A_33] : memref<128x50xi32, #tpu.memory_space<vmem>>[vector<16xi32>, vector<16xi32>], vector<16xi32>,
      %swap3A_78 = arith.index_cast %add3A_29 : i32 to index
      %swap3A_79 = arith.constant 96 : index
      %swap3A_80 = tpu.vector_load %arg6[%swap3A_78, %swap3A_79] {strides = array<i32>} : memref<50x128xi32, #tpu.memory_space<vmem>>, vector<16xi32>,
      tpu.vector_store %arg6[%swap3A_78, %swap3A_79], %gather3A_77 {strides = array<i32>} : memref<50x128xi32, #tpu.memory_space<vmem>>, vector<16xi32>,
      %add3A_81 = arith.constant 112 : i32
      %add3A_82 = vector.broadcast %add3A_81 : i32 to vector<16xi32>
      %add3A_83 = arith.addi %iota3A, %add3A_82 : vector<16xi32>
      %gather3A_84 = tpu.vector_load_idx %arg5[%add3A_83, %add3A_33] : memref<128x50xi32, #tpu.memory_space<vmem>>[vector<16xi32>, vector<16xi32>], vector<16xi32>,
      %swap3A_85 = arith.index_cast %add3A_29 : i32 to index
      %swap3A_86 = arith.constant 112 : index
      %swap3A_87 = tpu.vector_load %arg6[%swap3A_85, %swap3A_86] {strides = array<i32>} : memref<50x128xi32, #tpu.memory_space<vmem>>, vector<16xi32>,
      tpu.vector_store %arg6[%swap3A_85, %swap3A_86], %gather3A_84 {strides = array<i32>} : memref<50x128xi32, #tpu.memory_space<vmem>>, vector<16xi32>,
    }
    %scan3A_7 = arith.constant 50 : i32
    %scan3A_8 = arith.constant 0 : i32
    %scan3A_9 = arith.constant 128 : i32
    %scan3A_10 = arith.addi %scan3A_8, %scan3A_9 : i32
    %scan3A_11 = arith.constant 1 : i32
    scf.for %scan3A_25 = %scan3A_8 to %scan3A_10 step %scan3A_11  : i32 {
      %mul3A_26 = arith.constant 1 : i32
      %mul3A_27 = arith.muli %scan3A_25, %mul3A_26 : i32
      %add3A_28 = arith.constant 0 : i32
      %add3A_29 = arith.addi %add3A_28, %mul3A_27 : i32
      %swap3A = arith.index_cast %add3A_29 : i32 to index
      %swap3A_30 = arith.constant 0 : index
      %swap3A_31 = tpu.vector_load %arg7[%swap3A, %swap3A_30] {strides = array<i32>} : memref<128x64xf32, #tpu.memory_space<vmem>>, vector<16xf32>,
      tpu.vector_store %arg7[%swap3A, %swap3A_30], %broadcast_in_dim3A_3 {strides = array<i32>} : memref<128x64xf32, #tpu.memory_space<vmem>>, vector<16xf32>,
      %swap3A_32 = arith.index_cast %add3A_29 : i32 to index
      %swap3A_33 = arith.constant 16 : index
      %swap3A_34 = tpu.vector_load %arg7[%swap3A_32, %swap3A_33] {strides = array<i32>} : memref<128x64xf32, #tpu.memory_space<vmem>>, vector<16xf32>,
      tpu.vector_store %arg7[%swap3A_32, %swap3A_33], %broadcast_in_dim3A_3 {strides = array<i32>} : memref<128x64xf32, #tpu.memory_space<vmem>>, vector<16xf32>,
      %swap3A_35 = arith.index_cast %add3A_29 : i32 to index
      %swap3A_36 = arith.constant 32 : index
      %swap3A_37 = tpu.vector_load %arg7[%swap3A_35, %swap3A_36] {strides = array<i32>} : memref<128x64xf32, #tpu.memory_space<vmem>>, vector<16xf32>,
      tpu.vector_store %arg7[%swap3A_35, %swap3A_36], %broadcast_in_dim3A_3 {strides = array<i32>} : memref<128x64xf32, #tpu.memory_space<vmem>>, vector<16xf32>,
      %swap3A_38 = arith.index_cast %add3A_29 : i32 to index
      %swap3A_39 = arith.constant 48 : index
      %swap3A_40 = tpu.vector_load %arg7[%swap3A_38, %swap3A_39] {strides = array<i32>} : memref<128x64xf32, #tpu.memory_space<vmem>>, vector<16xf32>,
      tpu.vector_store %arg7[%swap3A_38, %swap3A_39], %broadcast_in_dim3A_3 {strides = array<i32>} : memref<128x64xf32, #tpu.memory_space<vmem>>, vector<16xf32>,
    }
    %scan3A_12 = arith.constant 128 : i32
    %scan3A_13 = arith.constant 0 : i32
    %scan3A_14 = arith.constant 50 : i32
    %scan3A_15 = arith.addi %scan3A_13, %scan3A_14 : i32
    %scan3A_16 = arith.constant 1 : i32
    scf.for %scan3A_25 = %scan3A_13 to %scan3A_15 step %scan3A_16  : i32 {
      %mul3A_26 = arith.constant 1 : i32
      %mul3A_27 = arith.muli %scan3A_25, %mul3A_26 : i32
      %add3A_28 = arith.constant 0 : i32
      %add3A_29 = arith.addi %add3A_28, %mul3A_27 : i32
      %dma_start3A = arith.constant 0 : i32
      %dma_start3A_30 = tpu.memref_slice %arg6[%add3A_29, %dma_start3A] : memref<50x128xi32, #tpu.memory_space<vmem>> -> memref<1x128xi32, #tpu.memory_space<vmem>>
      %dma_start3A_31 = tpu.memref_squeeze %dma_start3A_30 : memref<1x128xi32, #tpu.memory_space<vmem>> -> memref<128xi32, #tpu.memory_space<vmem>>
      %dma_start3A_32 = arith.constant 0 : i32
      %dma_start3A_33 = arith.constant 0 : i32
      %dma_start3A_34 = tpu.memref_slice %arg3[%dma_start3A_32, %dma_start3A_33] : memref<1000000x64xf32, #tpu.memory_space<hbm>> -> memref<1000000x64xf32, #tpu.memory_space<hbm>>
      tpu.enqueue_indirect_dma source(%dma_start3A_34 : memref<1000000x64xf32, #tpu.memory_space<hbm>>) target(%arg7 : memref<128x64xf32, #tpu.memory_space<vmem>>) offsets(%dma_start3A_31 : memref<128xi32, #tpu.memory_space<vmem>>) semaphore(%arg8 : memref<!tpu.dma_semaphore, #tpu.memory_space<semaphore_mem>>) {add = true}
    }
    %scan3A_17 = arith.constant 50 : i32
    %scan3A_18 = arith.constant 0 : i32
    %scan3A_19 = arith.constant 50 : i32
    %scan3A_20 = arith.addi %scan3A_18, %scan3A_19 : i32
    %scan3A_21 = arith.constant 1 : i32
    scf.for %scan3A_25 = %scan3A_18 to %scan3A_20 step %scan3A_21  : i32 {
      %mul3A_26 = arith.constant 1 : i32
      %mul3A_27 = arith.muli %scan3A_25, %mul3A_26 : i32
      %add3A_28 = arith.constant 0 : i32
      %add3A_29 = arith.addi %add3A_28, %mul3A_27 : i32
      %dma_wait3A = arith.constant 0 : i32
      %dma_wait3A_30 = arith.constant 0 : i32
      %dma_wait3A_31 = tpu.memref_slice %arg6[%dma_wait3A, %dma_wait3A_30] : memref<50x128xi32, #tpu.memory_space<vmem>> -> memref<1x128xi32, #tpu.memory_space<vmem>>
      %dma_wait3A_32 = tpu.memref_squeeze %dma_wait3A_31 : memref<1x128xi32, #tpu.memory_space<vmem>> -> memref<128xi32, #tpu.memory_space<vmem>>
      %dma_wait3A_33 = arith.constant 0 : i32
      %dma_wait3A_34 = arith.constant 0 : i32
      %dma_wait3A_35 = tpu.memref_slice %arg3[%dma_wait3A_33, %dma_wait3A_34] : memref<1000000x64xf32, #tpu.memory_space<hbm>> -> memref<1000000x64xf32, #tpu.memory_space<hbm>>
      tpu.wait_indirect_dma semaphore(%arg8 : memref<!tpu.dma_semaphore, #tpu.memory_space<semaphore_mem>>) src(%dma_wait3A_35 : memref<1000000x64xf32, #tpu.memory_space<hbm>>) dst(%arg7 : memref<128x64xf32, #tpu.memory_space<vmem>>)
    }
    %scan3A_22 = arith.constant 50 : i32
    %mul3A_23 = arith.constant 128 : i32
    %mul3A_24 = arith.muli %add3A, %mul3A_23 : i32
    "tpu.region"() ({
      %run_scoped3A = tpu.sem_alloc : memref<!tpu.dma_semaphore, #tpu.memory_space<semaphore_mem>>
      %dma_start3A = arith.constant 0 : i32
      %dma_start3A_25 = tpu.memref_slice %arg4[%mul3A_24, %dma_start3A] : memref<4096x64xf32, #tpu.memory_space<hbm>> -> memref<128x64xf32, #tpu.memory_space<hbm>>
      %dma_start3A_26 = arith.constant 0 : i32
      %dma_start3A_27 = tpu.memref_slice %arg4[%mul3A_24, %dma_start3A_26] : memref<4096x64xf32, #tpu.memory_space<hbm>> -> memref<128x64xf32, #tpu.memory_space<hbm>>
      tpu.enqueue_dma source(%arg7 : memref<128x64xf32, #tpu.memory_space<vmem>>) target(%dma_start3A_27 : memref<128x64xf32, #tpu.memory_space<hbm>>) target_semaphore(%run_scoped3A : memref<!tpu.dma_semaphore, #tpu.memory_space<semaphore_mem>>)
      %dma_wait3A = arith.constant 0 : i32
      %dma_wait3A_28 = tpu.memref_slice %arg4[%mul3A_24, %dma_wait3A] : memref<4096x64xf32, #tpu.memory_space<hbm>> -> memref<128x64xf32, #tpu.memory_space<hbm>>
      %dma_wait3A_29 = arith.constant 0 : i32
      %dma_wait3A_30 = tpu.memref_slice %arg4[%mul3A_24, %dma_wait3A_29] : memref<4096x64xf32, #tpu.memory_space<hbm>> -> memref<128x64xf32, #tpu.memory_space<hbm>>
      tpu.wait_dma2 semaphore(%run_scoped3A : memref<!tpu.dma_semaphore, #tpu.memory_space<semaphore_mem>>) src(%arg7 : memref<128x64xf32, #tpu.memory_space<vmem>>) dst(%dma_wait3A_30 : memref<128x64xf32, #tpu.memory_space<hbm>>)
      tpu.yield
    }) : () -> ()
    return
  }
}

</mosaic_0001>

<sc_bundles>
// kernel: kernel.3.cloned.1.call-start
scs
__scs_entry_jumppad:
0x0: {  	(pc) =	sbr.rel $0x88, $3  }
0x1: {  	(tag) =	ssettag $0x0;
	lr =	simm.s32 $0x1  }
0x2: {  	[smem:$0x3F9F] =	sst lr;
	_ =	strace $0xD0000000  }
0x3: {  	_ = 	snop  }
0x4: {  	_ = 	snop  }
0x5: {  	_ = 	snop  }
0x6: {  	_ = 	snop  }
0x7: {  	_ = 	snop  }
__scs_overlays_trampoline_lowered:
0x8: {  	[smem:$0x3FAE] =	sst s0  }
0x9: {  	[smem:$0x3FAF] =	sst s1  }
0xa: {  	[smem:$0x3FB0] =	sst s2  }
0xb: {  	[smem:$0x3FB1] =	sst s3  }
0xc: {  	[smem:$0x3FB2] =	sst s4  }
0xd: {  	[smem:$0x3FB3] =	sst s5  }
0xe: {  	[smem:$0x3FB4] =	sst s6  }
0xf: {  	[smem:$0x3FB5] =	sst s7  }
0x10: {  	[smem:$0x3FB6] =	sst s8  }
0x11: {  	[smem:$0x3FB7] =	sst s9;
	s0 =	simm.s32 @!p0 $0x0  }
0x12: {  	s1 =	sld [smem:$0x3F9D];
	s0 =	simm.s32 @p0 $0x1  }
0x13: {  	[smem:$0x3FB8] =	sst s0;
	s0 =	simm.s32 @!p1 $0x0  }
0x14: {  	s2 =	sld [smem:$0x3F9C];
	s0 =	simm.s32 @p1 $0x1  }
0x15: {  	[smem:$0x3FB9] =	sst s0;
	s0 =	simm.s32 @!p2 $0x0  }
0x16: {  	s3 =	sld [smem:$0x3FDB];
	s0 =	simm.s32 @p2 $0x1  }
0x17: {  	s4 =	simm.s32 $0x1BF5;
	[smem:$0x3FBB] =	sst s0  }
0x18: {  	s0 =	sld [smem:$0x3F9E];
	_ =	swait.ge [sflag:s4], $0x0  }
0x19: {  	s7 =	sld [smem:$0x3F9F]  }
0x1a: {  	s8 =	sadd.s32 $0xFFFFE003, lr  }
0x1b: {  	s9 =	sadd.s32 $0xFFFFFEF7, lr;
	s5 =	simm.s32 $0xFFFFFFFF;
	p2 =	slt.u32 s8, $0xFFFFF086  }
0x1c: {  	p1 =	slt.u32 s9, $0xF7A;
	s5 =	simm.s32 @!p2 $0x0  }
0x1d: {  	s5 =	simm.s32 @p1 $0x1;
	p0 =	seq.s32 s7, s2  }
0x1e: {  	s7 =	smul.u32 @!p0 $0xF7A, s2;
	p2 =	seq.s32 @!p0 s5, $0x0  }
0x1f: {  	s9 =	smul.u32 $0xF7A, s1;
	s8 =	simm.s32 @!p0 $0x1BF5;
	p2 =	por !p2, p0  }
0x20: {  	[sflag:s8] =	ssyncset.s32 @!p0 $0xFFFFF086;
	s6 =	sadd.s32 @!p0 s3, s7;
	s7 =	simm.s32 @!p0 $0x108  }
0x21: {  	s3 =	sadd.s32 s3, s9;
	s6 =	sadd.s32 @!p0 $0x88, s6;
	s7 =	simm.s32 @p2 $0x1082  }
0x22: {  	[simem:s7], [sflag:s8] =	dma.local @!p0 [hbm:s6], $0xF7A  }
0x23: {  	s9 =	sor.u32 $0xD0000000, s2;
	s6 =	simm.s32 $0x108;
	_ =	swait.ge @!p0 [sflag:s8], $0x0  }
0x24: {  	s3 =	sadd.s32 $0x88, s3;
	s6 =	simm.s32 @!p1 $0x1082;
	[sflag:s4] =	ssyncset.s32 $0xFFFFF086  }
0x25: {  	[simem:s6], [sflag:s4] =	dma.local [hbm:s3], $0xF7A  }
0x26: {  	[smem:$0x3F9F] =	sst s1;
	(tag) =	ssettag s2;
	_ =	strace s9  }
0x27: {  	s1 =	sld [smem:$0x3FAF]  }
0x28: {  	s2 =	sld [smem:$0x3FB0]  }
0x29: {  	s4 =	sld [smem:$0x3FB2]  }
0x2a: {  	p0 =	seq.s32 s5, $0x0;
	s5 =	sld [smem:$0x3FB3]  }
0x2b: {  	s6 =	sld [smem:$0x3FB4]  }
0x2c: {  	s7 =	sld [smem:$0x3FB5]  }
0x2d: {  	s3 =	simm.s32 $0x108;
	s8 =	sld [smem:$0x3FB6]  }
0x2e: {  	s3 =	simm.s32 @!p0 $0x1082;
	s9 =	sld [smem:$0x3FB7]  }
0x2f: {  	lr =	sadd.s32 s0, s3;
	s0 =	sld [smem:$0x3FAE]  }
0x30: {  	s3 =	sld [smem:$0x3FB1]  }
0x31: {  	[smem:$0x3FBA] =	sst s10  }
0x32: {  	s10 =	sld [smem:$0x3FB8];
	_ =	sdelay $0x3  }
0x33: {  	p0 =	seq.s32 s10, $0x1;
	s10 =	sld [smem:$0x3FBA];
	_ =	sdelay $0x3  }
0x34: {  	[smem:$0x3FBA] =	sst s10  }
0x35: {  	s10 =	sld [smem:$0x3FB9];
	_ =	sdelay $0x3  }
0x36: {  	p1 =	seq.s32 s10, $0x1;
	s10 =	sld [smem:$0x3FBA];
	_ =	sdelay $0x3  }
0x37: {  	[smem:$0x3FBA] =	sst s10  }
0x38: {  	s10 =	sld [smem:$0x3FBB]  }
0x39: {  	_ = 	snop;
	(pc) =	sbr.ind lr, $3  }
0x3a: {  	_ = 	snop  }
0x3b: {  	_ = 	snop  }
0x3c: {  	p2 =	seq.s32 s10, $0x1;
	s10 =	sld [smem:$0x3FBA]  }
0x3d: {  	_ =	shalt  }
0x3e: {  	_ =	shalt  }
0x3f: {  	_ =	shalt  }
0x40: {  	_ =	shalt  }
0x41: {  	_ =	shalt  }
0x42: {  	_ =	shalt  }
0x43: {  	_ =	shalt  }
0x44: {  	_ =	shalt  }
0x45: {  	_ =	shalt  }
0x46: {  	_ =	shalt  }
0x47: {  	_ =	shalt  }
0x48: {  	_ =	shalt  }
0x49: {  	_ =	shalt  }
0x4a: {  	_ =	shalt  }
0x4b: {  	_ =	shalt  }
0x4c: {  	_ =	shalt  }
0x4d: {  	_ =	shalt  }
0x4e: {  	_ =	shalt  }
0x4f: {  	_ =	shalt  }
0x50: {  	_ =	shalt  }
0x51: {  	_ =	shalt  }
0x52: {  	_ =	shalt  }
0x53: {  	_ =	shalt  }
0x54: {  	_ =	shalt  }
0x55: {  	_ =	shalt  }
0x56: {  	_ =	shalt  }
0x57: {  	_ =	shalt  }
0x58: {  	_ =	shalt  }
0x59: {  	_ =	shalt  }
0x5a: {  	_ =	shalt  }
0x5b: {  	_ =	shalt  }
0x5c: {  	_ =	shalt  }
0x5d: {  	_ =	shalt  }
0x5e: {  	_ =	shalt  }
0x5f: {  	_ =	shalt  }
0x60: {  	_ =	shalt  }
0x61: {  	_ =	shalt  }
0x62: {  	_ =	shalt  }
0x63: {  	_ =	shalt  }
0x64: {  	_ =	shalt  }
0x65: {  	_ =	shalt  }
0x66: {  	_ =	shalt  }
0x67: {  	_ =	shalt  }
0x68: {  	_ =	shalt  }
0x69: {  	_ =	shalt  }
0x6a: {  	_ =	shalt  }
0x6b: {  	_ =	shalt  }
0x6c: {  	_ =	shalt  }
0x6d: {  	_ =	shalt  }
0x6e: {  	_ =	shalt  }
0x6f: {  	_ =	shalt  }
0x70: {  	_ =	shalt  }
0x71: {  	_ =	shalt  }
0x72: {  	_ =	shalt  }
0x73: {  	_ =	shalt  }
0x74: {  	_ =	shalt  }
0x75: {  	_ =	shalt  }
0x76: {  	_ =	shalt  }
0x77: {  	_ =	shalt  }
0x78: {  	_ =	shalt  }
0x79: {  	_ =	shalt  }
0x7a: {  	_ =	shalt  }
0x7b: {  	_ =	shalt  }
0x7c: {  	_ =	shalt  }
0x7d: {  	_ =	shalt  }
0x7e: {  	_ =	shalt  }
0x7f: {  	_ =	shalt  }
0x80: {  	_ =	shalt  }
0x81: {  	_ =	shalt  }
0x82: {  	_ =	shalt  }
0x83: {  	_ =	shalt  }
0x84: {  	_ =	shalt  }
0x85: {  	_ =	shalt  }
0x86: {  	_ =	shalt  }
0x87: {  	_ =	shalt  }
.Lfunc_end0:
.L_simem_size_0:
called_computation_lowered:
.L_overlay_start_0:
0x88: {  	s2 =	sld [smem:$0x3FD9]  }
0x89: {  	s3 =	sld [smem:$0x3FFE];
	_ =	sdelay $0x1  }
0x8a: {  	s1 =	srdreg.scid  }
0x8b: {  	s0 =	sand.u32 $0x1, s1  }
0x8c: {  	s17 =	sshll.u32 s0, $0xA;
	s2 =	sadd.s32 s3, s2  }
0x8d: {  	s2 =	sadd.s32 s2, s17  }
0x8e: {  	[smem:$0x3FC6] =	sst s2  }
0x8f: {  	_ = 	snop  }
0x90: {  	s2 =	sld [smem:$0x3FD0];
	(tm) =	ssettm $0x1  }
0x91: {  	s18 =	sld [smem:$0x3FFB];
	_ =	sdelay $0x3  }
0x92: {  	_ =	strace s18  }
0x93: {  	s3 =	sld [smem:$0x3FFC];
	_ =	sdelay $0x3  }
0x94: {  	_ =	strace s3  }
0x95: {  	s3 =	sld [smem:$0x3FFD];
	_ =	sdelay $0x3  }
0x96: {  	_ =	strace s3  }
0x97: {  	_ =	strace $0x8FFFFFFF  }
0x98: {  	s19 =	sld [smem:$0x3FDB];
	_ =	sdelay $0x1  }
0x99: {  	s4 =	simm.s32 $_scs_section_size  }
0x9a: {  	s5 =	simm.s32 $_size__tile_overlayer_lowered;
	s6 =	simm.s32 $_tile_overlayer_lowered  }
0x9b: {  	s22 =	simm.s32 $0x1BFF;
	s21 =	sshll.u32 s6, $0x1;
	s3 =	sadd.s32 s4, s19  }
0x9c: {  	s7 =	simm.s32 $0x0;
	s20 =	sshll.u32 s5, $0x1;
	s5 =	sadd.s32 s21, s3  }
0x9d: {  	[timem:s7], [sflag:s22] =	dma.local [hbm:s5], s20  }
0x9e: {  	_ =	swait.ge [sflag:s22], s20  }
0x9f: {  	s4 =	ssub.s32 $0x0, s20;
	[sflag:s22] =	ssyncset.done $0x0  }
0xa0: {  	[sflag:s22] =	ssyncadd.s32 s4;
	_ =	sdelay $0x1  }
0xa1: {  	s23 =	simm.s32 $0x1B8B  }
0xa2: {  	_ =	swait.ge [sflag:s23], $0x1  }
0xa3: {  	[sflag:s23] =	ssyncset.done $0x0  }
0xa4: {  	s25 =	simm.s32 $0x1B8E;
	s24 =	sld [smem:$0x3FFE];
	[sflag:s23] =	ssyncadd.s32 $0xFFFFFFFF  }
0xa5: {  	s26 =	simm.s32 $execute0_lowered;
	[smem:$0x3FD2] =	sst s25  }
0xa6: {  	s5 =	sshll.u32 s26, $0x1;
	_ =	strace $0x80000046;
	[dreg:$0x1] =	wrdreg $0xFFFFFFFF  }
0xa7: {  	s28 =	simm.s32 $_size_execute0_lowered;
	s3 =	sadd.s32 s3, s5;
	[dreg:$0x0] =	wrdreg $0x0  }
0xa8: {  	s5 =	sshll.u32 s28, $0x1;
	[dreg:$0x2] =	wrdreg s3  }
0xa9: {  	[dreg:$0x3] =	wrdreg s5  }
0xaa: {  	[dreg:$0x4] =	wrdreg $0xC0  }
0xab: {  	_ =	task [dreg:s7], $0x5FFFF  }
0xac: {  	[dreg:$0x1] =	wrdreg $0xFFFFFFFF  }
0xad: {  	[dreg:$0x0] =	wrdreg $0x60  }
0xae: {  	[dreg:$0x2] =	wrdreg s24  }
0xaf: {  	[dreg:$0x3] =	wrdreg s2  }
0xb0: {  	[dreg:$0x4] =	wrdreg $0x9  }
0xb1: {  	_ =	task.clear_ibuf [dreg:s7], $0x5FFFF;
	_ =	strace $0x90000046  }
0xb2: {  	s29 =	simm.s32 $0x9;
	_ =	strace $0x80000048  }
0xb3: {  	_ =	swait.ge [sflag:s29], $0x1  }
0xb4: {  	[sflag:s29] =	ssyncadd.s32 $0xFFFFFFFF  }
0xb5: {  	_ =	strace $0x90000048  }
0xb6: {  	_ =	sfence  }
0xb7: {  	s30 =	sld [smem:$0x0];
	_ =	sdelay $0x2  }
0xb8: {  	s31 =	sshll.u32 s1, $0xD;
	s1 =	sshrl.u32 s1, $0x2  }
0xb9: {  	s3 =	sand.u32 $0x4000, s31;
	s1 =	sadd.s32 s1, s30  }
0xba: {  	s0 =	sor.u32 s3, s0;
	s1 =	sshll.u32 s1, $0x11  }
0xbb: {  	s0 =	sor.u32 s1, s0  }
0xbc: {  	s0 =	sadd.s32 $0x8F2B, s0  }
0xbd: {  	[sflag:s0] =	ssyncadd.remote.s32 $0x1  }
0xbe: {  	_ =	sfence.sel $0xFFFF  }
0xbf: {  	[dreg:$0x0] =	wrdreg $0xFFFFFFFF;
	(pc) =	sbr.abs _section_cstart, $3  }
0xc0: {  	[dreg:$0x1] =	wrdreg $0xFFFFFFFF  }
0xc1: {  	_ =	task.clear_ibuf [dreg:s7], $0x2FFFF;
	_ =	strace $0x9FFFFFFF  }
0xc2: {  	(tm) =	ssettm $0x7FFFFFFF  }
0xc3: {  	_ =	shalt  }
tec
execute0_lowered:
.L_overlay_start_1:
0x0: {  	(tag) =	ssettag $0x1  }
0x1: {  	s1 =	srdreg.scid  }
0x2: {  	s0 =	stileid.u32;
	s4 =	rddreg [dreg:$0x0]  }
0x3: {  	s5 =	rddreg [dreg:$0x1];
	s9 =	simm.s32 $0x3500;
	s10 =	simm.s32 $0x1  }
0x4: {  	s11 =	simm.s32 $0x0;
	s3 =	sand.u32 $0x1, s1;
	s30 =	sshll.u32 s0, $0x8  }
0x5: {  	v0 =	vlaneseq.u32;
	s1 =	rddreg [dreg:$0x2];
	s2 =	sshll.u32 s3, $0x7;
	s8 =	ssub.s32 $0x2, s3  }
0x6: {  	v0 =	vmul.u32 $0x38, v0;
	s3 =	sadd.s32 $0xF42A00, s4;
	s6 =	sor.u32 s2, s30;
	s2 =	simm.s32 $0x0  }
0x7: {  	s31 =	sshrl.u32 s8, $0x1;
	s7 =	smul.u32 $0x7, s6;
	[smem:$0x7FF] =	sst s2  }
0x8: {  	v8 =	vimm.f32 $0.0e+00;
	v1 =	vadd.s32 $0x380, v0;
	s6 =	sshll.u32 s6, $0x3;
	s8 =	ssub.s32 s8, s31;
	_ =	strace $0x80000047  }
0x9: {  	v2 =	vadd.s32 $0x700, v0;
	v3 =	vadd.s32 $0xA80, v0;
	v4 =	vadd.s32 $0xE00, v0;
	s5 =	sadd.s32 s5, s6;
	s6 =	smax.u32 s8, $0x1;
	s7 =	sadd.s32 s7, s4  }
0xa: {  	v5 =	vadd.s32 $0x1180, v0;
	v6 =	vadd.s32 $0x1500, v0;
	v7 =	vadd.s32 $0x1880, v0;
	s8 =	simm.s32 $0x80;
	s4 =	sadd.s32 $0x600, s7;
	s7 =	simm.s32 $0x2  }
.LBB2_1:
0xb: {  	v9 =	vmov s2  }
0xc: {  	v9 =	vand.u32 $0x3F, v9  }
0xd: {  	v10 =	vadd.s32 v0, v9  }
0xe: {  	[tilespmem:s2], [sflag:$0x2] =	stream.linear.gather [hbm4b:s4+s2], $0x1C00, $0x38;
	[tilespmem:$0x5500] =	vst v63  }
0xf: {  	_ =	swait.ge [sflag:s7], $0x1C00  }
0x10: {  	[sflag:s7] =	ssyncset.done $0x0  }
0x11: {  	[sflag:s7] =	ssyncadd.s32 $0xFFFFE400  }
0x12: {  	v10 =	vld.idx.msk [tilespmem:v10+s2+$0x0], $0xffff  }
0x13: {  	v11 =	vadd.s32 v1, v9;
	_ =	sdelay $0x2  }
0x14: {  	s13 =	simm.s32 $0x1C40  }
0x15: {  	[tilespmem:s13+$0xFFFFFFC0] =	vst v10  }
0x16: {  	v10 =	vld.idx.msk [tilespmem:v11+s2+$0x0], $0xffff  }
0x17: {  	v11 =	vadd.s32 v2, v9;
	_ =	sdelay $0x3  }
0x18: {  	[tilespmem:s13+$0xFFFFFFD0] =	vst v10  }
0x19: {  	v10 =	vld.idx.msk [tilespmem:v11+s2+$0x0], $0xffff  }
0x1a: {  	v11 =	vadd.s32 v3, v9;
	_ =	sdelay $0x3  }
0x1b: {  	[tilespmem:s13+$0xFFFFFFE0] =	vst v10  }
0x1c: {  	v10 =	vld.idx.msk [tilespmem:v11+s2+$0x0], $0xffff  }
0x1d: {  	v11 =	vadd.s32 v4, v9;
	_ =	sdelay $0x3  }
0x1e: {  	[tilespmem:s13+$0xFFFFFFF0] =	vst v10  }
0x1f: {  	v10 =	vld.idx.msk [tilespmem:v11+s2+$0x0], $0xffff  }
0x20: {  	v11 =	vadd.s32 v5, v9;
	_ =	sdelay $0x3  }
0x21: {  	[tilespmem:s13+$0x0] =	vst v10  }
0x22: {  	v10 =	vld.idx.msk [tilespmem:v11+s2+$0x0], $0xffff  }
0x23: {  	v11 =	vadd.s32 v6, v9;
	_ =	sdelay $0x3  }
0x24: {  	[tilespmem:s13+$0x10] =	vst v10  }
0x25: {  	v10 =	vld.idx.msk [tilespmem:v11+s2+$0x0], $0xffff  }
0x26: {  	v9 =	vadd.s32 v7, v9;
	_ =	sdelay $0x3  }
0x27: {  	s12 =	simm.s32 $0x1;
	[tilespmem:s13+$0x20] =	vst v10  }
0x28: {  	s14 =	simm.s32 $0x2;
	v10 =	vmov s12;
	v9 =	vld.idx.msk [tilespmem:v9+s2+$0x0], $0xffff  }
.LBB2_2:
0x29: {  	p0 =	sne.s32 s14, $0x31;
	v10 =	vand.u32 $0x3F, v10  }
0x2a: {  	v11 =	vadd.s32 v0, v10;
	_ =	sdelay $0x3  }
0x2b: {  	s12 =	simm.s32 $0x0;
	[tilespmem:s13+$0x30] =	vst v9  }
0x2c: {  	v9 =	vld.idx.msk [tilespmem:v11+s12+$0x0], $0xffff;
	_ =	sdelay $0x1  }
0x2d: {  	v11 =	vadd.s32 v1, v10;
	_ =	sdelay $0x2  }
0x2e: {  	s13 =	sadd.s32 $0x80, s13  }
0x2f: {  	[tilespmem:s13+$0xFFFFFFC0] =	vst v9  }
0x30: {  	v9 =	vld.idx.msk [tilespmem:v11+s12+$0x0], $0xffff;
	_ =	sdelay $0x1  }
0x31: {  	v11 =	vadd.s32 v2, v10;
	_ =	sdelay $0x3  }
0x32: {  	[tilespmem:s13+$0xFFFFFFD0] =	vst v9  }
0x33: {  	v9 =	vld.idx.msk [tilespmem:v11+s12+$0x0], $0xffff;
	_ =	sdelay $0x1  }
0x34: {  	v11 =	vadd.s32 v3, v10;
	_ =	sdelay $0x3  }
0x35: {  	[tilespmem:s13+$0xFFFFFFE0] =	vst v9  }
0x36: {  	v9 =	vld.idx.msk [tilespmem:v11+s12+$0x0], $0xffff;
	_ =	sdelay $0x1  }
0x37: {  	v11 =	vadd.s32 v4, v10;
	_ =	sdelay $0x3  }
0x38: {  	[tilespmem:s13+$0xFFFFFFF0] =	vst v9  }
0x39: {  	v9 =	vld.idx.msk [tilespmem:v11+s12+$0x0], $0xffff;
	_ =	sdelay $0x1  }
0x3a: {  	v11 =	vadd.s32 v5, v10;
	_ =	sdelay $0x3  }
0x3b: {  	[tilespmem:s13+$0x0] =	vst v9  }
0x3c: {  	v9 =	vld.idx.msk [tilespmem:v11+s12+$0x0], $0xffff;
	_ =	sdelay $0x1  }
0x3d: {  	v11 =	vadd.s32 v6, v10;
	_ =	sdelay $0x3  }
0x3e: {  	[tilespmem:s13+$0x10] =	vst v9  }
0x3f: {  	v9 =	vld.idx.msk [tilespmem:v11+s12+$0x0], $0xffff;
	_ =	sdelay $0x1  }
0x40: {  	v11 =	vadd.s32 v7, v10  }
.Ltmp0:
0x41: {  	(pc) =	sbr.rel @p0 .LBB2_2-.Ltmp0, $3  }
0x42: {  	_ =	sdelay $0x1  }
0x43: {  	[tilespmem:s13+$0x20] =	vst v9  }
0x44: {  	v10 =	vmov s14;
	s14 =	sadd.s32 $0x1, s14;
	v9 =	vld.idx.msk [tilespmem:v11+s12+$0x0], $0xffff  }
0x45: {  	v10 =	vand.u32 $0x3F, v10  }
0x46: {  	v11 =	vadd.s32 v0, v10;
	_ =	sdelay $0x3  }
0x47: {  	[tilespmem:s13+$0x30] =	vst v9  }
0x48: {  	v9 =	vld.idx.msk [tilespmem:v11+s12+$0x0], $0xffff  }
0x49: {  	v11 =	vadd.s32 v1, v10;
	_ =	sdelay $0x2  }
0x4a: {  	s31 =	sadd.s32 $0x80, s13  }
0x4b: {  	[tilespmem:s31+$0xFFFFFFC0] =	vst v9  }
0x4c: {  	v9 =	vld.idx.msk [tilespmem:v11+s12+$0x0], $0xffff  }
0x4d: {  	v11 =	vadd.s32 v2, v10;
	_ =	sdelay $0x3  }
0x4e: {  	[tilespmem:s31+$0xFFFFFFD0] =	vst v9  }
0x4f: {  	v9 =	vld.idx.msk [tilespmem:v11+s12+$0x0], $0xffff  }
0x50: {  	v11 =	vadd.s32 v3, v10;
	_ =	sdelay $0x3  }
0x51: {  	[tilespmem:s31+$0xFFFFFFE0] =	vst v9  }
0x52: {  	v9 =	vld.idx.msk [tilespmem:v11+s12+$0x0], $0xffff  }
0x53: {  	v11 =	vadd.s32 v4, v10;
	_ =	sdelay $0x3  }
0x54: {  	[tilespmem:s31+$0xFFFFFFF0] =	vst v9  }
0x55: {  	v9 =	vld.idx.msk [tilespmem:v11+s12+$0x0], $0xffff  }
0x56: {  	v11 =	vadd.s32 v5, v10;
	_ =	sdelay $0x3  }
0x57: {  	[tilespmem:s31+$0x0] =	vst v9  }
0x58: {  	v9 =	vld.idx.msk [tilespmem:v11+s12+$0x0], $0xffff  }
0x59: {  	v11 =	vadd.s32 v6, v10;
	_ =	sdelay $0x3  }
0x5a: {  	[tilespmem:s31+$0x10] =	vst v9  }
0x5b: {  	v9 =	vld.idx.msk [tilespmem:v11+s12+$0x0], $0xffff  }
0x5c: {  	v10 =	vadd.s32 v7, v10;
	_ =	sdelay $0x3  }
0x5d: {  	[tilespmem:s31+$0x20] =	vst v9  }
0x5e: {  	p0 =	por $0x1, $0x1;
	v9 =	vld.idx.msk [tilespmem:v10+s12+$0x0], $0xffff  }
.Ltmp1:
0x5f: {  	_ = 	snop;
	(pc) =	sbr.rel @!p0 .LBB2_5-.Ltmp1, $2  }
0x60: {  	_ =	sdelay $0x2  }
0x61: {  	s14 =	simm.s32 $0x100;
	s13 =	simm.s32 $0x0;
	[tilespmem:s31+$0x30] =	vst v9  }
.LBB2_4:
0x62: {  	p0 =	sne.s32 s14, $0x7F00;
	[tilespmem:s13+$0x3530] =	vst v8;
	s15 =	smov.u32 s14;
	s14 =	sadd.s32 $0x100, s14  }
.Ltmp2:
0x63: {  	[tilespmem:s13+$0x3520] =	vst v8;
	(pc) =	sbr.rel @p0 .LBB2_4-.Ltmp2, $3  }
0x64: {  	[tilespmem:s13+$0x3500] =	vst v8  }
0x65: {  	[tilespmem:s13+$0x3510] =	vst v8;
	_ =	sdelay $0x1  }
0x66: {  	s13 =	sshra.s32 s15, $0x2  }
.LBB2_5:
0x67: {  	[tilespmem:s13+$0x3530] =	vst v8  }
0x68: {  	[tilespmem:s13+$0x3520] =	vst v8  }
0x69: {  	[tilespmem:s13+$0x3500] =	vst v8  }
0x6a: {  	[tilespmem:s13+$0x3510] =	vst v8  }
.LBB2_6:
0x6b: {  	p0 =	sne.s32 s12, $0x6200  }
.Ltmp3:
0x6c: {  	_ = 	snop;
	(pc) =	sbr.rel @p0 .LBB2_6-.Ltmp3, $4  }
0x6d: {  	_ = 	snop  }
0x6e: {  	s13 =	sshra.s32 s12, $0x2  }
0x6f: {  	s12 =	sadd.s32 $0x200, s12;
	s13 =	sadd.s32 $0x1C00, s13  }
0x70: {  	[tilespmem:s9], [sflag:$0x1] =	stream.indirect.gather.add.f32 [hbm:s3], $0x40, s13, s8, $0xb8;
	[tilespmem:$0x5500] =	vst v63  }
0x71: {  	_ =	swait.ge [sflag:s10], $0x2000  }
0x72: {  	s12 =	simm.s32 $0x31;
	[sflag:s10] =	ssyncset.done $0x0  }
.LBB2_8:
0x73: {  	p0 =	sne.s32 s12, $0x1;
	s12 =	sadd.s32 $0xFFFFFFFF, s12;
	[sflag:s10] =	ssyncadd.s32 $0xFFFFE000  }
.Ltmp4:
0x74: {  	(pc) =	sbr.rel @p0 .LBB2_8-.Ltmp4, $3  }
0x75: {  	_ =	sdelay $0x1  }
0x76: {  	_ =	swait.ge [sflag:s10], $0x2000  }
0x77: {  	[sflag:s10] =	ssyncset.done $0x0  }
0x78: {  	s11 =	sadd.s32 $0x1, s11  }
0x79: {  	p0 =	sne.s32 s11, s6  }
.Ltmp5:
0x7a: {  	[sflag:s10] =	ssyncadd.s32 $0xFFFFE000;
	(pc) =	sbr.rel @p0 .LBB2_1-.Ltmp5, $4  }
0x7b: {  	[hbm4b:s5+s2] =	stream.linear.scatter [tilespmem:s9], [sflag:$0x2], $0x2000, $0x38;
	[tilespmem:$0x5500] =	vst v63  }
0x7c: {  	_ =	swait.ge [sflag:s7], $0x2000  }
0x7d: {  	[sflag:s7] =	ssyncset.done $0x0  }
0x7e: {  	[sflag:s7] =	ssyncadd.s32 $0xFFFFE000  }
0x7f: {  	_ =	sfence.sel $0x180000  }
0x80: {  	[bflag:$0x0] =	sbarrier.arrive $0xFFFF  }
0x81: {  	p0 =	sne.s32 s0, $0x0;
	_ =	strace $0x90000047  }
0x82: {  	s0 =	sadd.s32 @!p0 $0x100000, s1;
	[bflag:$0x2] =	sbarrier.arrive $0xFFFF  }
0x83: {  	[sflag:s0] =	ssyncadd.tile.s32 @!p0 $0x1;
	_ =	shalt  }
.Lfunc_end2:
_tile_overlayer_lowered:
.L_overlay_start_2:
0x84: {  	(tag) =	ssettag $0x2  }
0x85: {  	s0 =	rddreg [dreg:$0x0];
	s2 =	stileid.u32  }
0x86: {  	s1 =	rddreg [dreg:$0x1];
	p0 =	sne.s32 s2, $0x0  }
0x87: {  	s3 =	rddreg [dreg:$0x2];
	[bflag:$0x3] =	sbarrier.arrive $0xFFFF;
	s2 =	simm.s32 @!p0 $0x1C02  }
0x88: {  	[timem:s3], [sflag:s2] =	dma.local @!p0 [hbm:s0], s1  }
0x89: {  	s0 =	simm.s32 @!p0 $0x2  }
0x8a: {  	_ =	swait.ge @!p0 [sflag:s0], s1  }
0x8b: {  	s1 =	ssub.s32 @!p0 $0x0, s1;
	[sflag:s0] =	ssyncset.done @!p0 $0x0  }
0x8c: {  	[sflag:s0] =	ssyncadd.s32 @!p0 s1  }
0x8d: {  	[bflag:$0x3] =	sbarrier.arrive $0xFFFF  }
0x8e: {  	_ =	shalt  }

</sc_bundles>
